<compile_context>
chip_gen: v7x
topology: tpu7x:2x2x1
jax: 0.10.2.dev20260603
libtpu: 0.0.44.dev20260713+nightly
codegen_flags: <defaults>
</compile_context>

<pallas_src>
import functools

import jax
import jax.numpy as jnp
from jax import lax
from jax.experimental import pallas as pl
from jax.experimental.pallas import tpu as pltpu
from jax.experimental.pallas import tpu_sc as plsc

_D = 64
_K = 8192
_N = 8192
_BM = 512
_SEG = 2048
_BETA = 0.25

_NW = 32
_BPW = _N // _NW
_L = 16


def _argmin_body(xm2_ref, w_ref, rn_ref, cn_ref, idx_ref):
    m = jax.lax.dot_general(xm2_ref[...], w_ref[...],
                            (((1,), (1,)), ((), ())),
                            preferred_element_type=jnp.float32)
    d2 = (rn_ref[...] + m) + cn_ref[...]
    dist = jnp.sqrt(jnp.maximum(d2, 0.0))
    lane = jax.lax.broadcasted_iota(jnp.int32, (m.shape[0], _K), 1)

    def _row_min(t):
        while t.shape[1] > 128:
            w = t.shape[1] // 2
            t = jnp.minimum(t[:, :w], t[:, w:])
        return jnp.min(t, axis=1, keepdims=True)

    acc_v = None
    for c in range(_K // _SEG):
        dc = dist[:, c * _SEG:(c + 1) * _SEG]
        lc = lane[:, c * _SEG:(c + 1) * _SEG]
        mn_c = _row_min(dc)
        idx_c = _row_min(jnp.where(dc == mn_c, lc, _K))
        if acc_v is None:
            acc_v = mn_c.astype(jnp.bfloat16).astype(jnp.float32)
            acc_i = idx_c
        else:
            upd = mn_c < acc_v
            acc_v = jnp.where(upd, mn_c.astype(jnp.bfloat16).astype(jnp.float32),
                              acc_v)
            acc_i = jnp.where(upd, idx_c, acc_i)
    idx_ref[...] = acc_i


def _nearest_indices(flat, W):
    rn = jnp.sum(flat * flat, axis=1, keepdims=True)
    cn = jnp.sum(W * W, axis=1)[None, :]
    xm2 = (-2.0 * flat).astype(jnp.bfloat16)
    return pl.pallas_call(
        _argmin_body,
        grid=(_N // _BM,),
        in_specs=[
            pl.BlockSpec((_BM, _D), lambda i: (i, 0)),
            pl.BlockSpec((_K, _D), lambda i: (0, 0)),
            pl.BlockSpec((_BM, 1), lambda i: (i, 0)),
            pl.BlockSpec((1, _K), lambda i: (0, 0)),
        ],
        out_specs=pl.BlockSpec((_BM, 1), lambda i: (i, 0)),
        out_shape=jax.ShapeDtypeStruct((_N, 1), jnp.int32),
    )(xm2, W, rn, cn)


@functools.partial(
    pl.kernel,
    mesh=plsc.VectorSubcoreMesh(core_axis_name="c", subcore_axis_name="s"),
    out_type=[
        jax.ShapeDtypeStruct((_N, _D), jnp.float32),
        jax.ShapeDtypeStruct((_NW, _L), jnp.float32),
    ],
    scratch_types=[
        pltpu.VMEM((_BPW,), jnp.int32),
        pltpu.VMEM((_BPW, 128), jnp.float32),
        pltpu.VMEM((_BPW, _D), jnp.float32),
        pltpu.VMEM((_BPW, _D), jnp.float32),
        pltpu.VMEM((_L,), jnp.float32),
        pltpu.SemaphoreType.DMA,
    ],
)
def _sc_tail(w_hbm, idx_hbm, x_hbm, qst_hbm, loss_hbm,
             idx_v, rows_v, x_v, qst_v, acc_v, sem):
    wid = lax.axis_index("s") * 2 + lax.axis_index("c")
    base = wid * _BPW
    pltpu.sync_copy(idx_hbm.at[pl.ds(base, _BPW)], idx_v)
    pltpu.async_copy(w_hbm.at[idx_v], rows_v, sem).wait()
    pltpu.sync_copy(x_hbm.at[pl.ds(base, _BPW)], x_v)

    def row(i, acc):
        for j in range(_D // _L):
            q = rows_v[i, pl.ds(j * _L, _L)]
            xx = x_v[i, pl.ds(j * _L, _L)]
            diff = q - xx
            qst_v[i, pl.ds(j * _L, _L)] = xx + diff
            acc = acc + diff * diff
        return acc

    acc = lax.fori_loop(0, _BPW, row, jnp.zeros((_L,), jnp.float32))
    acc_v[...] = acc
    pltpu.sync_copy(qst_v, qst_hbm.at[pl.ds(base, _BPW)])
    pltpu.sync_copy(acc_v, loss_hbm.at[wid])


def kernel(encoding, W):
    shape = encoding.shape
    flat = encoding.reshape(-1, _D)
    idx = _nearest_indices(flat, W)
    w_pad = jnp.pad(W, ((0, 0), (0, 128 - _D)))
    qst, lpart = _sc_tail(w_pad, idx.reshape(-1), flat)
    mean_sq = jnp.sum(lpart) / flat.size
    vq_loss = mean_sq * _BETA + mean_sq
    return idx, qst.reshape(shape), vq_loss

# --- scband reference (transcript-rebuilt; emitter-appended) ---
"""Pipeline reference for scband-vector-quantizer-36438502540044 (READ-ONLY COPY).

The authoritative reference and input builder live on the scoring server;
editing this copy changes nothing except your own understanding.
"""

import jax, jax.numpy as jnp
import numpy as np

K = 8192
D = 64
BETA = 0.25


def setup_inputs(seed: int = 0) -> dict:
    key = jax.random.key(seed)
    k1, k2 = jax.random.split(key)
    encoding = jax.random.normal(k1, (8, 1024, 64), dtype=jnp.float32)
    # nn.Embedding weight init: uniform(-1/K, 1/K)
    W = jax.random.uniform(k2, (K, D), minval=-1.0 / K, maxval=1.0 / K, dtype=jnp.float32)
    return {"encoding": encoding, "W": W}


def reference(encoding, W):
    encoding_shape = encoding.shape
    flat = encoding.reshape(-1, D)
    # torch.cdist(flat, W, p=2): euclidean distances [N, K]
    d2 = (jnp.sum(flat * flat, axis=1, keepdims=True)
          - 2.0 * (flat @ W.T)
          + jnp.sum(W * W, axis=1)[None, :])
    dist = jnp.sqrt(jnp.maximum(d2, 0.0))
    # sort()[1][:, 0] == argmin along codebook axis
    quantized_index = jnp.argmin(dist, axis=1)
    # one-hot scatter + matmul with codebook (as in the torch module)
    encoding_one_hot = jax.nn.one_hot(quantized_index, K, dtype=flat.dtype)
    quantized_embedding = (encoding_one_hot @ W).reshape(encoding_shape)
    commitment_loss = jnp.mean((jax.lax.stop_gradient(quantized_embedding) - encoding) ** 2)
    embedding_loss = jnp.mean((quantized_embedding - jax.lax.stop_gradient(encoding)) ** 2)
    vq_loss = commitment_loss * BETA + embedding_loss
    quantized_embedding_st = encoding + jax.lax.stop_gradient(quantized_embedding - encoding)
    return quantized_index[:, None], quantized_embedding_st, vq_loss

if __name__ == "__main__":
    import jax
    _d = setup_inputs()
    print(jax.jit(kernel)(*tuple(_d.values())))

</pallas_src>

<mosaic_0001>
#map = affine_map<(d0, d1) -> (0, 0)>
#map1 = affine_map<(d0, d1) -> (0)>
module attributes {stable_mosaic.version = 14 : i64} {
  func.func @_sc_tail(%arg0: i32, %arg1: i32, %arg2: memref<8192x128xf32, #tpu.memory_space<hbm>>, %arg3: memref<8192xi32, #tpu.memory_space<hbm>>, %arg4: memref<8192x64xf32, #tpu.memory_space<hbm>>, %arg5: memref<8192x64xf32, #tpu.memory_space<hbm>>, %arg6: memref<32x16xf32, #tpu.memory_space<hbm>>, %arg7: memref<256xi32, #tpu.memory_space<vmem>>, %arg8: memref<256x128xf32, #tpu.memory_space<vmem>>, %arg9: memref<256x64xf32, #tpu.memory_space<vmem>>, %arg10: memref<256x64xf32, #tpu.memory_space<vmem>>, %arg11: memref<16xf32, #tpu.memory_space<vmem>>, %arg12: memref<!tpu.dma_semaphore, #tpu.memory_space<semaphore_mem>>) attributes {dimension_semantics = [#tpu.dimension_semantics<core_parallel>, #tpu.dimension_semantics<subcore_parallel>], iteration_bounds = array<i64: 2, 16>, scalar_prefetch = 0 : i64, scratch_operands = 6 : i64, tpu.core_type = #tpu.core_type<sc_vector_subcore>, window_params = [{transform_indices = #map}, {transform_indices = #map1}, {transform_indices = #map}, {transform_indices = #map}, {transform_indices = #map}]} {
    %mul3A = arith.constant 2 : i32
    %mul3A_0 = arith.muli %arg1, %mul3A : i32
    %add3A = arith.addi %mul3A_0, %arg0 : i32
    %mul3A_1 = arith.constant 256 : i32
    %mul3A_2 = arith.muli %add3A, %mul3A_1 : i32
    "tpu.region"() ({
      %run_scoped3A = tpu.sem_alloc : memref<!tpu.dma_semaphore, #tpu.memory_space<semaphore_mem>>
      %dma_start3A_16 = tpu.memref_slice %arg3[%mul3A_2] : memref<8192xi32, #tpu.memory_space<hbm>> -> memref<256xi32, #tpu.memory_space<hbm>>
      %dma_start3A_17 = tpu.memref_slice %arg3[%mul3A_2] : memref<8192xi32, #tpu.memory_space<hbm>> -> memref<256xi32, #tpu.memory_space<hbm>>
      tpu.enqueue_dma source(%dma_start3A_17 : memref<256xi32, #tpu.memory_space<hbm>>) target(%arg7 : memref<256xi32, #tpu.memory_space<vmem>>) target_semaphore(%run_scoped3A : memref<!tpu.dma_semaphore, #tpu.memory_space<semaphore_mem>>)
      %dma_wait3A_18 = tpu.memref_slice %arg3[%mul3A_2] : memref<8192xi32, #tpu.memory_space<hbm>> -> memref<256xi32, #tpu.memory_space<hbm>>
      %dma_wait3A_19 = tpu.memref_slice %arg3[%mul3A_2] : memref<8192xi32, #tpu.memory_space<hbm>> -> memref<256xi32, #tpu.memory_space<hbm>>
      tpu.wait_dma2 semaphore(%run_scoped3A : memref<!tpu.dma_semaphore, #tpu.memory_space<semaphore_mem>>) src(%dma_wait3A_19 : memref<256xi32, #tpu.memory_space<hbm>>) dst(%arg7 : memref<256xi32, #tpu.memory_space<vmem>>)
      tpu.yield
    }) : () -> ()
    %dma_start3A = arith.constant 0 : i32
    %dma_start3A_3 = arith.constant 0 : i32
    %dma_start3A_4 = tpu.memref_slice %arg2[%dma_start3A, %dma_start3A_3] : memref<8192x128xf32, #tpu.memory_space<hbm>> -> memref<8192x128xf32, #tpu.memory_space<hbm>>
    tpu.enqueue_indirect_dma source(%dma_start3A_4 : memref<8192x128xf32, #tpu.memory_space<hbm>>) target(%arg8 : memref<256x128xf32, #tpu.memory_space<vmem>>) offsets(%arg7 : memref<256xi32, #tpu.memory_space<vmem>>) semaphore(%arg12 : memref<!tpu.dma_semaphore, #tpu.memory_space<semaphore_mem>>)
    %dma_wait3A = arith.constant 0 : i32
    %dma_wait3A_5 = arith.constant 0 : i32
    %dma_wait3A_6 = tpu.memref_slice %arg2[%dma_wait3A, %dma_wait3A_5] : memref<8192x128xf32, #tpu.memory_space<hbm>> -> memref<8192x128xf32, #tpu.memory_space<hbm>>
    tpu.wait_indirect_dma semaphore(%arg12 : memref<!tpu.dma_semaphore, #tpu.memory_space<semaphore_mem>>) src(%dma_wait3A_6 : memref<8192x128xf32, #tpu.memory_space<hbm>>) dst(%arg8 : memref<256x128xf32, #tpu.memory_space<vmem>>)
    "tpu.region"() ({
      %run_scoped3A = tpu.sem_alloc : memref<!tpu.dma_semaphore, #tpu.memory_space<semaphore_mem>>
      %dma_start3A_16 = arith.constant 0 : i32
      %dma_start3A_17 = tpu.memref_slice %arg4[%mul3A_2, %dma_start3A_16] : memref<8192x64xf32, #tpu.memory_space<hbm>> -> memref<256x64xf32, #tpu.memory_space<hbm>>
      %dma_start3A_18 = arith.constant 0 : i32
      %dma_start3A_19 = tpu.memref_slice %arg4[%mul3A_2, %dma_start3A_18] : memref<8192x64xf32, #tpu.memory_space<hbm>> -> memref<256x64xf32, #tpu.memory_space<hbm>>
      tpu.enqueue_dma source(%dma_start3A_19 : memref<256x64xf32, #tpu.memory_space<hbm>>) target(%arg9 : memref<256x64xf32, #tpu.memory_space<vmem>>) target_semaphore(%run_scoped3A : memref<!tpu.dma_semaphore, #tpu.memory_space<semaphore_mem>>)
      %dma_wait3A_20 = arith.constant 0 : i32
      %dma_wait3A_21 = tpu.memref_slice %arg4[%mul3A_2, %dma_wait3A_20] : memref<8192x64xf32, #tpu.memory_space<hbm>> -> memref<256x64xf32, #tpu.memory_space<hbm>>
      %dma_wait3A_22 = arith.constant 0 : i32
      %dma_wait3A_23 = tpu.memref_slice %arg4[%mul3A_2, %dma_wait3A_22] : memref<8192x64xf32, #tpu.memory_space<hbm>> -> memref<256x64xf32, #tpu.memory_space<hbm>>
      tpu.wait_dma2 semaphore(%run_scoped3A : memref<!tpu.dma_semaphore, #tpu.memory_space<semaphore_mem>>) src(%dma_wait3A_23 : memref<256x64xf32, #tpu.memory_space<hbm>>) dst(%arg9 : memref<256x64xf32, #tpu.memory_space<vmem>>)
      tpu.yield
    }) : () -> ()
    %broadcast_in_dim3A = arith.constant 0.000000e+00 : f32
    %broadcast_in_dim3A_7 = vector.broadcast %broadcast_in_dim3A : f32 to vector<16xf32>
    %scan3A = arith.constant 0 : i32
    %scan3A_8 = arith.constant 256 : i32
    %scan3A_9 = arith.addi %scan3A, %scan3A_8 : i32
    %scan3A_10 = arith.constant 1 : i32
    %scan3A_11 = scf.for %scan3A_16 = %scan3A to %scan3A_9 step %scan3A_10 iter_args(%scan3A_17 = %broadcast_in_dim3A_7) -> (vector<16xf32>)  : i32 {
      %get3A = arith.index_cast %scan3A_16 : i32 to index
      %get3A_18 = arith.constant 0 : index
      %get3A_19 = tpu.vector_load %arg8[%get3A, %get3A_18] {strides = array<i32>} : memref<256x128xf32, #tpu.memory_space<vmem>>, vector<1x16xf32>,
      %get3A_20 = vector.shape_cast %get3A_19 : vector<1x16xf32> to vector<16xf32>
      %get3A_21 = arith.index_cast %scan3A_16 : i32 to index
      %get3A_22 = arith.constant 0 : index
      %get3A_23 = tpu.vector_load %arg9[%get3A_21, %get3A_22] {strides = array<i32>} : memref<256x64xf32, #tpu.memory_space<vmem>>, vector<1x16xf32>,
      %get3A_24 = vector.shape_cast %get3A_23 : vector<1x16xf32> to vector<16xf32>
      %sub3A = arith.subf %get3A_20, %get3A_24 : vector<16xf32>
      %add3A_25 = arith.addf %get3A_24, %sub3A : vector<16xf32>
      %swap3A_26 = arith.index_cast %scan3A_16 : i32 to index
      %swap3A_27 = arith.constant 0 : index
      %swap3A_28 = tpu.vector_load %arg10[%swap3A_26, %swap3A_27] {strides = array<i32>} : memref<256x64xf32, #tpu.memory_space<vmem>>, vector<1x16xf32>,
      %swap3A_29 = vector.shape_cast %swap3A_28 : vector<1x16xf32> to vector<16xf32>
      %swap3A_30 = vector.shape_cast %add3A_25 : vector<16xf32> to vector<1x16xf32>
      tpu.vector_store %arg10[%swap3A_26, %swap3A_27], %swap3A_30 {strides = array<i32>} : memref<256x64xf32, #tpu.memory_space<vmem>>, vector<1x16xf32>,
      %mul3A_31 = arith.mulf %sub3A, %sub3A : vector<16xf32>
      %add3A_32 = arith.addf %scan3A_17, %mul3A_31 : vector<16xf32>
      %get3A_33 = arith.index_cast %scan3A_16 : i32 to index
      %get3A_34 = arith.constant 16 : index
      %get3A_35 = tpu.vector_load %arg8[%get3A_33, %get3A_34] {strides = array<i32>} : memref<256x128xf32, #tpu.memory_space<vmem>>, vector<1x16xf32>,
      %get3A_36 = vector.shape_cast %get3A_35 : vector<1x16xf32> to vector<16xf32>
      %get3A_37 = arith.index_cast %scan3A_16 : i32 to index
      %get3A_38 = arith.constant 16 : index
      %get3A_39 = tpu.vector_load %arg9[%get3A_37, %get3A_38] {strides = array<i32>} : memref<256x64xf32, #tpu.memory_space<vmem>>, vector<1x16xf32>,
      %get3A_40 = vector.shape_cast %get3A_39 : vector<1x16xf32> to vector<16xf32>
      %sub3A_41 = arith.subf %get3A_36, %get3A_40 : vector<16xf32>
      %add3A_42 = arith.addf %get3A_40, %sub3A_41 : vector<16xf32>
      %swap3A_43 = arith.index_cast %scan3A_16 : i32 to index
      %swap3A_44 = arith.constant 16 : index
      %swap3A_45 = tpu.vector_load %arg10[%swap3A_43, %swap3A_44] {strides = array<i32>} : memref<256x64xf32, #tpu.memory_space<vmem>>, vector<1x16xf32>,
      %swap3A_46 = vector.shape_cast %swap3A_45 : vector<1x16xf32> to vector<16xf32>
      %swap3A_47 = vector.shape_cast %add3A_42 : vector<16xf32> to vector<1x16xf32>
      tpu.vector_store %arg10[%swap3A_43, %swap3A_44], %swap3A_47 {strides = array<i32>} : memref<256x64xf32, #tpu.memory_space<vmem>>, vector<1x16xf32>,
      %mul3A_48 = arith.mulf %sub3A_41, %sub3A_41 : vector<16xf32>
      %add3A_49 = arith.addf %add3A_32, %mul3A_48 : vector<16xf32>
      %get3A_50 = arith.index_cast %scan3A_16 : i32 to index
      %get3A_51 = arith.constant 32 : index
      %get3A_52 = tpu.vector_load %arg8[%get3A_50, %get3A_51] {strides = array<i32>} : memref<256x128xf32, #tpu.memory_space<vmem>>, vector<1x16xf32>,
      %get3A_53 = vector.shape_cast %get3A_52 : vector<1x16xf32> to vector<16xf32>
      %get3A_54 = arith.index_cast %scan3A_16 : i32 to index
      %get3A_55 = arith.constant 32 : index
      %get3A_56 = tpu.vector_load %arg9[%get3A_54, %get3A_55] {strides = array<i32>} : memref<256x64xf32, #tpu.memory_space<vmem>>, vector<1x16xf32>,
      %get3A_57 = vector.shape_cast %get3A_56 : vector<1x16xf32> to vector<16xf32>
      %sub3A_58 = arith.subf %get3A_53, %get3A_57 : vector<16xf32>
      %add3A_59 = arith.addf %get3A_57, %sub3A_58 : vector<16xf32>
      %swap3A_60 = arith.index_cast %scan3A_16 : i32 to index
      %swap3A_61 = arith.constant 32 : index
      %swap3A_62 = tpu.vector_load %arg10[%swap3A_60, %swap3A_61] {strides = array<i32>} : memref<256x64xf32, #tpu.memory_space<vmem>>, vector<1x16xf32>,
      %swap3A_63 = vector.shape_cast %swap3A_62 : vector<1x16xf32> to vector<16xf32>
      %swap3A_64 = vector.shape_cast %add3A_59 : vector<16xf32> to vector<1x16xf32>
      tpu.vector_store %arg10[%swap3A_60, %swap3A_61], %swap3A_64 {strides = array<i32>} : memref<256x64xf32, #tpu.memory_space<vmem>>, vector<1x16xf32>,
      %mul3A_65 = arith.mulf %sub3A_58, %sub3A_58 : vector<16xf32>
      %add3A_66 = arith.addf %add3A_49, %mul3A_65 : vector<16xf32>
      %get3A_67 = arith.index_cast %scan3A_16 : i32 to index
      %get3A_68 = arith.constant 48 : index
      %get3A_69 = tpu.vector_load %arg8[%get3A_67, %get3A_68] {strides = array<i32>} : memref<256x128xf32, #tpu.memory_space<vmem>>, vector<1x16xf32>,
      %get3A_70 = vector.shape_cast %get3A_69 : vector<1x16xf32> to vector<16xf32>
      %get3A_71 = arith.index_cast %scan3A_16 : i32 to index
      %get3A_72 = arith.constant 48 : index
      %get3A_73 = tpu.vector_load %arg9[%get3A_71, %get3A_72] {strides = array<i32>} : memref<256x64xf32, #tpu.memory_space<vmem>>, vector<1x16xf32>,
      %get3A_74 = vector.shape_cast %get3A_73 : vector<1x16xf32> to vector<16xf32>
      %sub3A_75 = arith.subf %get3A_70, %get3A_74 : vector<16xf32>
      %add3A_76 = arith.addf %get3A_74, %sub3A_75 : vector<16xf32>
      %swap3A_77 = arith.index_cast %scan3A_16 : i32 to index
      %swap3A_78 = arith.constant 48 : index
      %swap3A_79 = tpu.vector_load %arg10[%swap3A_77, %swap3A_78] {strides = array<i32>} : memref<256x64xf32, #tpu.memory_space<vmem>>, vector<1x16xf32>,
      %swap3A_80 = vector.shape_cast %swap3A_79 : vector<1x16xf32> to vector<16xf32>
      %swap3A_81 = vector.shape_cast %add3A_76 : vector<16xf32> to vector<1x16xf32>
      tpu.vector_store %arg10[%swap3A_77, %swap3A_78], %swap3A_81 {strides = array<i32>} : memref<256x64xf32, #tpu.memory_space<vmem>>, vector<1x16xf32>,
      %mul3A_82 = arith.mulf %sub3A_75, %sub3A_75 : vector<16xf32>
      %add3A_83 = arith.addf %add3A_66, %mul3A_82 : vector<16xf32>
      scf.yield %add3A_83 : vector<16xf32>
    }
    %scan3A_12 = arith.constant 256 : i32
    %swap3A = arith.constant 0 : index
    %swap3A_13 = tpu.vector_load %arg11[%swap3A] {strides = array<i32>} : memref<16xf32, #tpu.memory_space<vmem>>, vector<16xf32>,
    %swap3A_14 = vector.shape_cast %swap3A_13 : vector<16xf32> to vector<16xf32>
    %swap3A_15 = vector.shape_cast %scan3A_11 : vector<16xf32> to vector<16xf32>
    tpu.vector_store %arg11[%swap3A], %swap3A_15 {strides = array<i32>} : memref<16xf32, #tpu.memory_space<vmem>>, vector<16xf32>,
    "tpu.region"() ({
      %run_scoped3A = tpu.sem_alloc : memref<!tpu.dma_semaphore, #tpu.memory_space<semaphore_mem>>
      %dma_start3A_16 = arith.constant 0 : i32
      %dma_start3A_17 = tpu.memref_slice %arg5[%mul3A_2, %dma_start3A_16] : memref<8192x64xf32, #tpu.memory_space<hbm>> -> memref<256x64xf32, #tpu.memory_space<hbm>>
      %dma_start3A_18 = arith.constant 0 : i32
      %dma_start3A_19 = tpu.memref_slice %arg5[%mul3A_2, %dma_start3A_18] : memref<8192x64xf32, #tpu.memory_space<hbm>> -> memref<256x64xf32, #tpu.memory_space<hbm>>
      tpu.enqueue_dma source(%arg10 : memref<256x64xf32, #tpu.memory_space<vmem>>) target(%dma_start3A_19 : memref<256x64xf32, #tpu.memory_space<hbm>>) target_semaphore(%run_scoped3A : memref<!tpu.dma_semaphore, #tpu.memory_space<semaphore_mem>>)
      %dma_wait3A_20 = arith.constant 0 : i32
      %dma_wait3A_21 = tpu.memref_slice %arg5[%mul3A_2, %dma_wait3A_20] : memref<8192x64xf32, #tpu.memory_space<hbm>> -> memref<256x64xf32, #tpu.memory_space<hbm>>
      %dma_wait3A_22 = arith.constant 0 : i32
      %dma_wait3A_23 = tpu.memref_slice %arg5[%mul3A_2, %dma_wait3A_22] : memref<8192x64xf32, #tpu.memory_space<hbm>> -> memref<256x64xf32, #tpu.memory_space<hbm>>
      tpu.wait_dma2 semaphore(%run_scoped3A : memref<!tpu.dma_semaphore, #tpu.memory_space<semaphore_mem>>) src(%arg10 : memref<256x64xf32, #tpu.memory_space<vmem>>) dst(%dma_wait3A_23 : memref<256x64xf32, #tpu.memory_space<hbm>>)
      tpu.yield
    }) : () -> ()
    "tpu.region"() ({
      %run_scoped3A = tpu.sem_alloc : memref<!tpu.dma_semaphore, #tpu.memory_space<semaphore_mem>>
      %dma_start3A_16 = arith.constant 0 : i32
      %dma_start3A_17 = tpu.memref_slice %arg6[%add3A, %dma_start3A_16] : memref<32x16xf32, #tpu.memory_space<hbm>> -> memref<1x16xf32, #tpu.memory_space<hbm>>
      %dma_start3A_18 = tpu.memref_squeeze %dma_start3A_17 : memref<1x16xf32, #tpu.memory_space<hbm>> -> memref<16xf32, #tpu.memory_space<hbm>>
      %dma_start3A_19 = arith.constant 0 : i32
      %dma_start3A_20 = tpu.memref_slice %arg6[%add3A, %dma_start3A_19] : memref<32x16xf32, #tpu.memory_space<hbm>> -> memref<1x16xf32, #tpu.memory_space<hbm>>
      %dma_start3A_21 = tpu.memref_squeeze %dma_start3A_20 : memref<1x16xf32, #tpu.memory_space<hbm>> -> memref<16xf32, #tpu.memory_space<hbm>>
      tpu.enqueue_dma source(%arg11 : memref<16xf32, #tpu.memory_space<vmem>>) target(%dma_start3A_21 : memref<16xf32, #tpu.memory_space<hbm>>) target_semaphore(%run_scoped3A : memref<!tpu.dma_semaphore, #tpu.memory_space<semaphore_mem>>)
      %dma_wait3A_22 = arith.constant 0 : i32
      %dma_wait3A_23 = tpu.memref_slice %arg6[%add3A, %dma_wait3A_22] : memref<32x16xf32, #tpu.memory_space<hbm>> -> memref<1x16xf32, #tpu.memory_space<hbm>>
      %dma_wait3A_24 = tpu.memref_squeeze %dma_wait3A_23 : memref<1x16xf32, #tpu.memory_space<hbm>> -> memref<16xf32, #tpu.memory_space<hbm>>
      %dma_wait3A_25 = arith.constant 0 : i32
      %dma_wait3A_26 = tpu.memref_slice %arg6[%add3A, %dma_wait3A_25] : memref<32x16xf32, #tpu.memory_space<hbm>> -> memref<1x16xf32, #tpu.memory_space<hbm>>
      %dma_wait3A_27 = tpu.memref_squeeze %dma_wait3A_26 : memref<1x16xf32, #tpu.memory_space<hbm>> -> memref<16xf32, #tpu.memory_space<hbm>>
      tpu.wait_dma2 semaphore(%run_scoped3A : memref<!tpu.dma_semaphore, #tpu.memory_space<semaphore_mem>>) src(%arg11 : memref<16xf32, #tpu.memory_space<vmem>>) dst(%dma_wait3A_27 : memref<16xf32, #tpu.memory_space<hbm>>)
      tpu.yield
    }) : () -> ()
    return
  }
}

module attributes {stable_mosaic.version = 14 : i64} {
  func.func @_argmin_body(%arg0: i32, %arg1: memref<512x64xbf16, #tpu.memory_space<vmem>>, %arg2: memref<8192x64xf32, #tpu.memory_space<vmem>>, %arg3: memref<512x1xf32, #tpu.memory_space<vmem>>, %arg4: memref<1x8192xf32, #tpu.memory_space<vmem>>, %arg5: memref<512x1xi32, #tpu.memory_space<vmem>>) attributes {dimension_semantics = [#tpu.dimension_semantics<arbitrary>], iteration_bounds = array<i64: 16>, scalar_prefetch = 0 : i64, scratch_operands = 0 : i64, tpu.core_type = #tpu.core_type<tc>, window_params = [{transform_indices = @transform_0, window_bounds = array<i64: 512, 64>}, {pipeline_mode = #tpu.pipeline_mode<synchronous>, transform_indices = @transform_1, window_bounds = array<i64: 8192, 64>}, {transform_indices = @transform_2, window_bounds = array<i64: 512, 1>}, {pipeline_mode = #tpu.pipeline_mode<synchronous>, transform_indices = @transform_3, window_bounds = array<i64: 1, 8192>}, {transform_indices = @transform_4, window_bounds = array<i64: 512, 1>}]} {
    %get3A = arith.constant 0 : index
    %get3A_0 = arith.constant 0 : index
    %get3A_1 = vector.load %arg1[%get3A, %get3A_0] : memref<512x64xbf16, #tpu.memory_space<vmem>>, vector<512x64xbf16>
    %get3A_2 = arith.constant 0 : index
    %get3A_3 = arith.constant 0 : index
    %get3A_4 = vector.load %arg2[%get3A_2, %get3A_3] : memref<8192x64xf32, #tpu.memory_space<vmem>>, vector<8192x64xf32>
    %dot_general3A = arith.constant dense<0.000000e+00> : vector<512x8192xf32>
    %dot_general3A_5 = tpu.matmul %get3A_1, %get3A_4, %dot_general3A {dimension_numbers = #tpu.dot_dimension_numbers<[1], [1], [0], [0], [0, 0, 1, 0], [], []>, transpose_lhs_hint = false} : vector<512x64xbf16>, vector<8192x64xf32>, vector<512x8192xf32> -> vector<512x8192xf32>
    %get3A_6 = arith.constant 0 : index
    %get3A_7 = arith.constant 0 : index
    %get3A_8 = vector.load %arg3[%get3A_6, %get3A_7] : memref<512x1xf32, #tpu.memory_space<vmem>>, vector<512x1xf32>
    %add3A = vector.broadcast %get3A_8 : vector<512x1xf32> to vector<512x8192xf32>
    %add3A_9 = arith.addf %add3A, %dot_general3A_5 : vector<512x8192xf32>
    %get3A_10 = arith.constant 0 : index
    %get3A_11 = arith.constant 0 : index
    %get3A_12 = vector.load %arg4[%get3A_10, %get3A_11] : memref<1x8192xf32, #tpu.memory_space<vmem>>, vector<1x8192xf32>
    %add3A_13 = vector.broadcast %get3A_12 : vector<1x8192xf32> to vector<512x8192xf32>
    %add3A_14 = arith.addf %add3A_9, %add3A_13 : vector<512x8192xf32>
    %max3A = arith.constant 0.000000e+00 : f32
    %max3A_15 = vector.broadcast %max3A : f32 to vector<512x8192xf32>
    %max3A_16 = arith.maximumf %add3A_14, %max3A_15 : vector<512x8192xf32>
    %sqrt3A = math.sqrt %max3A_16 : vector<512x8192xf32>
    %iota3A = tpu.iota {dimensions = array<i32: 1>} : vector<512x8192xi32>
    %slice3A = vector.extract_strided_slice %sqrt3A {offsets = [0, 0], sizes = [512, 2048], strides = [1, 1]} : vector<512x8192xf32> to vector<512x2048xf32>
    %slice3A_17 = vector.extract_strided_slice %iota3A {offsets = [0, 0], sizes = [512, 2048], strides = [1, 1]} : vector<512x8192xi32> to vector<512x2048xi32>
    %slice3A_18 = vector.extract_strided_slice %slice3A {offsets = [0, 0], sizes = [512, 1024], strides = [1, 1]} : vector<512x2048xf32> to vector<512x1024xf32>
    %slice3A_19 = vector.extract_strided_slice %slice3A {offsets = [0, 1024], sizes = [512, 1024], strides = [1, 1]} : vector<512x2048xf32> to vector<512x1024xf32>
    %min3A = arith.minimumf %slice3A_18, %slice3A_19 : vector<512x1024xf32>
    %slice3A_20 = vector.extract_strided_slice %min3A {offsets = [0, 0], sizes = [512, 512], strides = [1, 1]} : vector<512x1024xf32> to vector<512x512xf32>
    %slice3A_21 = vector.extract_strided_slice %min3A {offsets = [0, 512], sizes = [512, 512], strides = [1, 1]} : vector<512x1024xf32> to vector<512x512xf32>
    %min3A_22 = arith.minimumf %slice3A_20, %slice3A_21 : vector<512x512xf32>
    %slice3A_23 = vector.extract_strided_slice %min3A_22 {offsets = [0, 0], sizes = [512, 256], strides = [1, 1]} : vector<512x512xf32> to vector<512x256xf32>
    %slice3A_24 = vector.extract_strided_slice %min3A_22 {offsets = [0, 256], sizes = [512, 256], strides = [1, 1]} : vector<512x512xf32> to vector<512x256xf32>
    %min3A_25 = arith.minimumf %slice3A_23, %slice3A_24 : vector<512x256xf32>
    %slice3A_26 = vector.extract_strided_slice %min3A_25 {offsets = [0, 0], sizes = [512, 128], strides = [1, 1]} : vector<512x256xf32> to vector<512x128xf32>
    %slice3A_27 = vector.extract_strided_slice %min3A_25 {offsets = [0, 128], sizes = [512, 128], strides = [1, 1]} : vector<512x256xf32> to vector<512x128xf32>
    %min3A_28 = arith.minimumf %slice3A_26, %slice3A_27 : vector<512x128xf32>
    %reduce_min3A = arith.constant dense<0x7F800000> : vector<512xf32>
    %reduce_min3A_29 = vector.multi_reduction <minimumf>, %min3A_28, %reduce_min3A [1] : vector<512x128xf32> to vector<512xf32>
    %broadcast_in_dim3A = vector.shape_cast %reduce_min3A_29 : vector<512xf32> to vector<512x1xf32>
    %eq3A = vector.broadcast %broadcast_in_dim3A : vector<512x1xf32> to vector<512x2048xf32>
    %eq3A_30 = arith.cmpf oeq, %slice3A, %eq3A : vector<512x2048xf32>
    %jit3A = arith.constant 8192 : i32
    %broadcast_in_dim3A_31 = vector.broadcast %jit3A : i32 to vector<512x2048xi32>
    %select_n3A = arith.select %eq3A_30, %slice3A_17, %broadcast_in_dim3A_31 : vector<512x2048xi1>, vector<512x2048xi32>
    %slice3A_32 = vector.extract_strided_slice %select_n3A {offsets = [0, 0], sizes = [512, 1024], strides = [1, 1]} : vector<512x2048xi32> to vector<512x1024xi32>
    %slice3A_33 = vector.extract_strided_slice %select_n3A {offsets = [0, 1024], sizes = [512, 1024], strides = [1, 1]} : vector<512x2048xi32> to vector<512x1024xi32>
    %min3A_34 = arith.minsi %slice3A_32, %slice3A_33 : vector<512x1024xi32>
    %slice3A_35 = vector.extract_strided_slice %min3A_34 {offsets = [0, 0], sizes = [512, 512], strides = [1, 1]} : vector<512x1024xi32> to vector<512x512xi32>
    %slice3A_36 = vector.extract_strided_slice %min3A_34 {offsets = [0, 512], sizes = [512, 512], strides = [1, 1]} : vector<512x1024xi32> to vector<512x512xi32>
    %min3A_37 = arith.minsi %slice3A_35, %slice3A_36 : vector<512x512xi32>
    %slice3A_38 = vector.extract_strided_slice %min3A_37 {offsets = [0, 0], sizes = [512, 256], strides = [1, 1]} : vector<512x512xi32> to vector<512x256xi32>
    %slice3A_39 = vector.extract_strided_slice %min3A_37 {offsets = [0, 256], sizes = [512, 256], strides = [1, 1]} : vector<512x512xi32> to vector<512x256xi32>
    %min3A_40 = arith.minsi %slice3A_38, %slice3A_39 : vector<512x256xi32>
    %slice3A_41 = vector.extract_strided_slice %min3A_40 {offsets = [0, 0], sizes = [512, 128], strides = [1, 1]} : vector<512x256xi32> to vector<512x128xi32>
    %slice3A_42 = vector.extract_strided_slice %min3A_40 {offsets = [0, 128], sizes = [512, 128], strides = [1, 1]} : vector<512x256xi32> to vector<512x128xi32>
    %min3A_43 = arith.minsi %slice3A_41, %slice3A_42 : vector<512x128xi32>
    %reduce_min3A_44 = arith.constant dense<2147483647> : vector<512xi32>
    %reduce_min3A_45 = vector.multi_reduction <minsi>, %min3A_43, %reduce_min3A_44 [1] : vector<512x128xi32> to vector<512xi32>
    %broadcast_in_dim3A_46 = vector.shape_cast %reduce_min3A_45 : vector<512xi32> to vector<512x1xi32>
    %convert_element_type3A = arith.truncf %broadcast_in_dim3A : vector<512x1xf32> to vector<512x1xbf16>
    %convert_element_type3A_47 = arith.extf %convert_element_type3A : vector<512x1xbf16> to vector<512x1xf32>
    %slice3A_48 = vector.extract_strided_slice %sqrt3A {offsets = [0, 2048], sizes = [512, 2048], strides = [1, 1]} : vector<512x8192xf32> to vector<512x2048xf32>
    %slice3A_49 = vector.extract_strided_slice %iota3A {offsets = [0, 2048], sizes = [512, 2048], strides = [1, 1]} : vector<512x8192xi32> to vector<512x2048xi32>
    %slice3A_50 = vector.extract_strided_slice %slice3A_48 {offsets = [0, 0], sizes = [512, 1024], strides = [1, 1]} : vector<512x2048xf32> to vector<512x1024xf32>
    %slice3A_51 = vector.extract_strided_slice %slice3A_48 {offsets = [0, 1024], sizes = [512, 1024], strides = [1, 1]} : vector<512x2048xf32> to vector<512x1024xf32>
    %min3A_52 = arith.minimumf %slice3A_50, %slice3A_51 : vector<512x1024xf32>
    %slice3A_53 = vector.extract_strided_slice %min3A_52 {offsets = [0, 0], sizes = [512, 512], strides = [1, 1]} : vector<512x1024xf32> to vector<512x512xf32>
    %slice3A_54 = vector.extract_strided_slice %min3A_52 {offsets = [0, 512], sizes = [512, 512], strides = [1, 1]} : vector<512x1024xf32> to vector<512x512xf32>
    %min3A_55 = arith.minimumf %slice3A_53, %slice3A_54 : vector<512x512xf32>
    %slice3A_56 = vector.extract_strided_slice %min3A_55 {offsets = [0, 0], sizes = [512, 256], strides = [1, 1]} : vector<512x512xf32> to vector<512x256xf32>
    %slice3A_57 = vector.extract_strided_slice %min3A_55 {offsets = [0, 256], sizes = [512, 256], strides = [1, 1]} : vector<512x512xf32> to vector<512x256xf32>
    %min3A_58 = arith.minimumf %slice3A_56, %slice3A_57 : vector<512x256xf32>
    %slice3A_59 = vector.extract_strided_slice %min3A_58 {offsets = [0, 0], sizes = [512, 128], strides = [1, 1]} : vector<512x256xf32> to vector<512x128xf32>
    %slice3A_60 = vector.extract_strided_slice %min3A_58 {offsets = [0, 128], sizes = [512, 128], strides = [1, 1]} : vector<512x256xf32> to vector<512x128xf32>
    %min3A_61 = arith.minimumf %slice3A_59, %slice3A_60 : vector<512x128xf32>
    %reduce_min3A_62 = arith.constant dense<0x7F800000> : vector<512xf32>
    %reduce_min3A_63 = vector.multi_reduction <minimumf>, %min3A_61, %reduce_min3A_62 [1] : vector<512x128xf32> to vector<512xf32>
    %broadcast_in_dim3A_64 = vector.shape_cast %reduce_min3A_63 : vector<512xf32> to vector<512x1xf32>
    %eq3A_65 = vector.broadcast %broadcast_in_dim3A_64 : vector<512x1xf32> to vector<512x2048xf32>
    %eq3A_66 = arith.cmpf oeq, %slice3A_48, %eq3A_65 : vector<512x2048xf32>
    %jit3A_67 = arith.constant 8192 : i32
    %broadcast_in_dim3A_68 = vector.broadcast %jit3A_67 : i32 to vector<512x2048xi32>
    %select_n3A_69 = arith.select %eq3A_66, %slice3A_49, %broadcast_in_dim3A_68 : vector<512x2048xi1>, vector<512x2048xi32>
    %slice3A_70 = vector.extract_strided_slice %select_n3A_69 {offsets = [0, 0], sizes = [512, 1024], strides = [1, 1]} : vector<512x2048xi32> to vector<512x1024xi32>
    %slice3A_71 = vector.extract_strided_slice %select_n3A_69 {offsets = [0, 1024], sizes = [512, 1024], strides = [1, 1]} : vector<512x2048xi32> to vector<512x1024xi32>
    %min3A_72 = arith.minsi %slice3A_70, %slice3A_71 : vector<512x1024xi32>
    %slice3A_73 = vector.extract_strided_slice %min3A_72 {offsets = [0, 0], sizes = [512, 512], strides = [1, 1]} : vector<512x1024xi32> to vector<512x512xi32>
    %slice3A_74 = vector.extract_strided_slice %min3A_72 {offsets = [0, 512], sizes = [512, 512], strides = [1, 1]} : vector<512x1024xi32> to vector<512x512xi32>
    %min3A_75 = arith.minsi %slice3A_73, %slice3A_74 : vector<512x512xi32>
    %slice3A_76 = vector.extract_strided_slice %min3A_75 {offsets = [0, 0], sizes = [512, 256], strides = [1, 1]} : vector<512x512xi32> to vector<512x256xi32>
    %slice3A_77 = vector.extract_strided_slice %min3A_75 {offsets = [0, 256], sizes = [512, 256], strides = [1, 1]} : vector<512x512xi32> to vector<512x256xi32>
    %min3A_78 = arith.minsi %slice3A_76, %slice3A_77 : vector<512x256xi32>
    %slice3A_79 = vector.extract_strided_slice %min3A_78 {offsets = [0, 0], sizes = [512, 128], strides = [1, 1]} : vector<512x256xi32> to vector<512x128xi32>
    %slice3A_80 = vector.extract_strided_slice %min3A_78 {offsets = [0, 128], sizes = [512, 128], strides = [1, 1]} : vector<512x256xi32> to vector<512x128xi32>
    %min3A_81 = arith.minsi %slice3A_79, %slice3A_80 : vector<512x128xi32>
    %reduce_min3A_82 = arith.constant dense<2147483647> : vector<512xi32>
    %reduce_min3A_83 = vector.multi_reduction <minsi>, %min3A_81, %reduce_min3A_82 [1] : vector<512x128xi32> to vector<512xi32>
    %broadcast_in_dim3A_84 = vector.shape_cast %reduce_min3A_83 : vector<512xi32> to vector<512x1xi32>
    %lt3A = arith.cmpf olt, %broadcast_in_dim3A_64, %convert_element_type3A_47 : vector<512x1xf32>
    %convert_element_type3A_85 = arith.truncf %broadcast_in_dim3A_64 : vector<512x1xf32> to vector<512x1xbf16>
    %convert_element_type3A_86 = arith.extf %convert_element_type3A_85 : vector<512x1xbf16> to vector<512x1xf32>
    %select_n3A_87 = arith.select %lt3A, %convert_element_type3A_86, %convert_element_type3A_47 : vector<512x1xi1>, vector<512x1xf32>
    %select_n3A_88 = arith.select %lt3A, %broadcast_in_dim3A_84, %broadcast_in_dim3A_46 : vector<512x1xi1>, vector<512x1xi32>
    %slice3A_89 = vector.extract_strided_slice %sqrt3A {offsets = [0, 4096], sizes = [512, 2048], strides = [1, 1]} : vector<512x8192xf32> to vector<512x2048xf32>
    %slice3A_90 = vector.extract_strided_slice %iota3A {offsets = [0, 4096], sizes = [512, 2048], strides = [1, 1]} : vector<512x8192xi32> to vector<512x2048xi32>
    %slice3A_91 = vector.extract_strided_slice %slice3A_89 {offsets = [0, 0], sizes = [512, 1024], strides = [1, 1]} : vector<512x2048xf32> to vector<512x1024xf32>
    %slice3A_92 = vector.extract_strided_slice %slice3A_89 {offsets = [0, 1024], sizes = [512, 1024], strides = [1, 1]} : vector<512x2048xf32> to vector<512x1024xf32>
    %min3A_93 = arith.minimumf %slice3A_91, %slice3A_92 : vector<512x1024xf32>
    %slice3A_94 = vector.extract_strided_slice %min3A_93 {offsets = [0, 0], sizes = [512, 512], strides = [1, 1]} : vector<512x1024xf32> to vector<512x512xf32>
    %slice3A_95 = vector.extract_strided_slice %min3A_93 {offsets = [0, 512], sizes = [512, 512], strides = [1, 1]} : vector<512x1024xf32> to vector<512x512xf32>
    %min3A_96 = arith.minimumf %slice3A_94, %slice3A_95 : vector<512x512xf32>
    %slice3A_97 = vector.extract_strided_slice %min3A_96 {offsets = [0, 0], sizes = [512, 256], strides = [1, 1]} : vector<512x512xf32> to vector<512x256xf32>
    %slice3A_98 = vector.extract_strided_slice %min3A_96 {offsets = [0, 256], sizes = [512, 256], strides = [1, 1]} : vector<512x512xf32> to vector<512x256xf32>
    %min3A_99 = arith.minimumf %slice3A_97, %slice3A_98 : vector<512x256xf32>
    %slice3A_100 = vector.extract_strided_slice %min3A_99 {offsets = [0, 0], sizes = [512, 128], strides = [1, 1]} : vector<512x256xf32> to vector<512x128xf32>
    %slice3A_101 = vector.extract_strided_slice %min3A_99 {offsets = [0, 128], sizes = [512, 128], strides = [1, 1]} : vector<512x256xf32> to vector<512x128xf32>
    %min3A_102 = arith.minimumf %slice3A_100, %slice3A_101 : vector<512x128xf32>
    %reduce_min3A_103 = arith.constant dense<0x7F800000> : vector<512xf32>
    %reduce_min3A_104 = vector.multi_reduction <minimumf>, %min3A_102, %reduce_min3A_103 [1] : vector<512x128xf32> to vector<512xf32>
    %broadcast_in_dim3A_105 = vector.shape_cast %reduce_min3A_104 : vector<512xf32> to vector<512x1xf32>
    %eq3A_106 = vector.broadcast %broadcast_in_dim3A_105 : vector<512x1xf32> to vector<512x2048xf32>
    %eq3A_107 = arith.cmpf oeq, %slice3A_89, %eq3A_106 : vector<512x2048xf32>
    %jit3A_108 = arith.constant 8192 : i32
    %broadcast_in_dim3A_109 = vector.broadcast %jit3A_108 : i32 to vector<512x2048xi32>
    %select_n3A_110 = arith.select %eq3A_107, %slice3A_90, %broadcast_in_dim3A_109 : vector<512x2048xi1>, vector<512x2048xi32>
    %slice3A_111 = vector.extract_strided_slice %select_n3A_110 {offsets = [0, 0], sizes = [512, 1024], strides = [1, 1]} : vector<512x2048xi32> to vector<512x1024xi32>
    %slice3A_112 = vector.extract_strided_slice %select_n3A_110 {offsets = [0, 1024], sizes = [512, 1024], strides = [1, 1]} : vector<512x2048xi32> to vector<512x1024xi32>
    %min3A_113 = arith.minsi %slice3A_111, %slice3A_112 : vector<512x1024xi32>
    %slice3A_114 = vector.extract_strided_slice %min3A_113 {offsets = [0, 0], sizes = [512, 512], strides = [1, 1]} : vector<512x1024xi32> to vector<512x512xi32>
    %slice3A_115 = vector.extract_strided_slice %min3A_113 {offsets = [0, 512], sizes = [512, 512], strides = [1, 1]} : vector<512x1024xi32> to vector<512x512xi32>
    %min3A_116 = arith.minsi %slice3A_114, %slice3A_115 : vector<512x512xi32>
    %slice3A_117 = vector.extract_strided_slice %min3A_116 {offsets = [0, 0], sizes = [512, 256], strides = [1, 1]} : vector<512x512xi32> to vector<512x256xi32>
    %slice3A_118 = vector.extract_strided_slice %min3A_116 {offsets = [0, 256], sizes = [512, 256], strides = [1, 1]} : vector<512x512xi32> to vector<512x256xi32>
    %min3A_119 = arith.minsi %slice3A_117, %slice3A_118 : vector<512x256xi32>
    %slice3A_120 = vector.extract_strided_slice %min3A_119 {offsets = [0, 0], sizes = [512, 128], strides = [1, 1]} : vector<512x256xi32> to vector<512x128xi32>
    %slice3A_121 = vector.extract_strided_slice %min3A_119 {offsets = [0, 128], sizes = [512, 128], strides = [1, 1]} : vector<512x256xi32> to vector<512x128xi32>
    %min3A_122 = arith.minsi %slice3A_120, %slice3A_121 : vector<512x128xi32>
    %reduce_min3A_123 = arith.constant dense<2147483647> : vector<512xi32>
    %reduce_min3A_124 = vector.multi_reduction <minsi>, %min3A_122, %reduce_min3A_123 [1] : vector<512x128xi32> to vector<512xi32>
    %broadcast_in_dim3A_125 = vector.shape_cast %reduce_min3A_124 : vector<512xi32> to vector<512x1xi32>
    %lt3A_126 = arith.cmpf olt, %broadcast_in_dim3A_105, %select_n3A_87 : vector<512x1xf32>
    %convert_element_type3A_127 = arith.truncf %broadcast_in_dim3A_105 : vector<512x1xf32> to vector<512x1xbf16>
    %convert_element_type3A_128 = arith.extf %convert_element_type3A_127 : vector<512x1xbf16> to vector<512x1xf32>
    %select_n3A_129 = arith.select %lt3A_126, %convert_element_type3A_128, %select_n3A_87 : vector<512x1xi1>, vector<512x1xf32>
    %select_n3A_130 = arith.select %lt3A_126, %broadcast_in_dim3A_125, %select_n3A_88 : vector<512x1xi1>, vector<512x1xi32>
    %slice3A_131 = vector.extract_strided_slice %sqrt3A {offsets = [0, 6144], sizes = [512, 2048], strides = [1, 1]} : vector<512x8192xf32> to vector<512x2048xf32>
    %slice3A_132 = vector.extract_strided_slice %iota3A {offsets = [0, 6144], sizes = [512, 2048], strides = [1, 1]} : vector<512x8192xi32> to vector<512x2048xi32>
    %slice3A_133 = vector.extract_strided_slice %slice3A_131 {offsets = [0, 0], sizes = [512, 1024], strides = [1, 1]} : vector<512x2048xf32> to vector<512x1024xf32>
    %slice3A_134 = vector.extract_strided_slice %slice3A_131 {offsets = [0, 1024], sizes = [512, 1024], strides = [1, 1]} : vector<512x2048xf32> to vector<512x1024xf32>
    %min3A_135 = arith.minimumf %slice3A_133, %slice3A_134 : vector<512x1024xf32>
    %slice3A_136 = vector.extract_strided_slice %min3A_135 {offsets = [0, 0], sizes = [512, 512], strides = [1, 1]} : vector<512x1024xf32> to vector<512x512xf32>
    %slice3A_137 = vector.extract_strided_slice %min3A_135 {offsets = [0, 512], sizes = [512, 512], strides = [1, 1]} : vector<512x1024xf32> to vector<512x512xf32>
    %min3A_138 = arith.minimumf %slice3A_136, %slice3A_137 : vector<512x512xf32>
    %slice3A_139 = vector.extract_strided_slice %min3A_138 {offsets = [0, 0], sizes = [512, 256], strides = [1, 1]} : vector<512x512xf32> to vector<512x256xf32>
    %slice3A_140 = vector.extract_strided_slice %min3A_138 {offsets = [0, 256], sizes = [512, 256], strides = [1, 1]} : vector<512x512xf32> to vector<512x256xf32>
    %min3A_141 = arith.minimumf %slice3A_139, %slice3A_140 : vector<512x256xf32>
    %slice3A_142 = vector.extract_strided_slice %min3A_141 {offsets = [0, 0], sizes = [512, 128], strides = [1, 1]} : vector<512x256xf32> to vector<512x128xf32>
    %slice3A_143 = vector.extract_strided_slice %min3A_141 {offsets = [0, 128], sizes = [512, 128], strides = [1, 1]} : vector<512x256xf32> to vector<512x128xf32>
    %min3A_144 = arith.minimumf %slice3A_142, %slice3A_143 : vector<512x128xf32>
    %reduce_min3A_145 = arith.constant dense<0x7F800000> : vector<512xf32>
    %reduce_min3A_146 = vector.multi_reduction <minimumf>, %min3A_144, %reduce_min3A_145 [1] : vector<512x128xf32> to vector<512xf32>
    %broadcast_in_dim3A_147 = vector.shape_cast %reduce_min3A_146 : vector<512xf32> to vector<512x1xf32>
    %eq3A_148 = vector.broadcast %broadcast_in_dim3A_147 : vector<512x1xf32> to vector<512x2048xf32>
    %eq3A_149 = arith.cmpf oeq, %slice3A_131, %eq3A_148 : vector<512x2048xf32>
    %jit3A_150 = arith.constant 8192 : i32
    %broadcast_in_dim3A_151 = vector.broadcast %jit3A_150 : i32 to vector<512x2048xi32>
    %select_n3A_152 = arith.select %eq3A_149, %slice3A_132, %broadcast_in_dim3A_151 : vector<512x2048xi1>, vector<512x2048xi32>
    %slice3A_153 = vector.extract_strided_slice %select_n3A_152 {offsets = [0, 0], sizes = [512, 1024], strides = [1, 1]} : vector<512x2048xi32> to vector<512x1024xi32>
    %slice3A_154 = vector.extract_strided_slice %select_n3A_152 {offsets = [0, 1024], sizes = [512, 1024], strides = [1, 1]} : vector<512x2048xi32> to vector<512x1024xi32>
    %min3A_155 = arith.minsi %slice3A_153, %slice3A_154 : vector<512x1024xi32>
    %slice3A_156 = vector.extract_strided_slice %min3A_155 {offsets = [0, 0], sizes = [512, 512], strides = [1, 1]} : vector<512x1024xi32> to vector<512x512xi32>
    %slice3A_157 = vector.extract_strided_slice %min3A_155 {offsets = [0, 512], sizes = [512, 512], strides = [1, 1]} : vector<512x1024xi32> to vector<512x512xi32>
    %min3A_158 = arith.minsi %slice3A_156, %slice3A_157 : vector<512x512xi32>
    %slice3A_159 = vector.extract_strided_slice %min3A_158 {offsets = [0, 0], sizes = [512, 256], strides = [1, 1]} : vector<512x512xi32> to vector<512x256xi32>
    %slice3A_160 = vector.extract_strided_slice %min3A_158 {offsets = [0, 256], sizes = [512, 256], strides = [1, 1]} : vector<512x512xi32> to vector<512x256xi32>
    %min3A_161 = arith.minsi %slice3A_159, %slice3A_160 : vector<512x256xi32>
    %slice3A_162 = vector.extract_strided_slice %min3A_161 {offsets = [0, 0], sizes = [512, 128], strides = [1, 1]} : vector<512x256xi32> to vector<512x128xi32>
    %slice3A_163 = vector.extract_strided_slice %min3A_161 {offsets = [0, 128], sizes = [512, 128], strides = [1, 1]} : vector<512x256xi32> to vector<512x128xi32>
    %min3A_164 = arith.minsi %slice3A_162, %slice3A_163 : vector<512x128xi32>
    %reduce_min3A_165 = arith.constant dense<2147483647> : vector<512xi32>
    %reduce_min3A_166 = vector.multi_reduction <minsi>, %min3A_164, %reduce_min3A_165 [1] : vector<512x128xi32> to vector<512xi32>
    %broadcast_in_dim3A_167 = vector.shape_cast %reduce_min3A_166 : vector<512xi32> to vector<512x1xi32>
    %lt3A_168 = arith.cmpf olt, %broadcast_in_dim3A_147, %select_n3A_129 : vector<512x1xf32>
    %select_n3A_169 = arith.select %lt3A_168, %broadcast_in_dim3A_167, %select_n3A_130 : vector<512x1xi1>, vector<512x1xi32>
    %swap3A = arith.constant 0 : index
    %swap3A_170 = arith.constant 0 : index
    %swap3A_171 = vector.load %arg5[%swap3A, %swap3A_170] : memref<512x1xi32, #tpu.memory_space<vmem>>, vector<512x1xi32>
    tpu.vector_store %arg5[%swap3A, %swap3A_170], %select_n3A_169 {strides = array<i32>} : memref<512x1xi32, #tpu.memory_space<vmem>>, vector<512x1xi32>,
    return
  }
  func.func @transform_0(%arg0: i32) -> (i32, i32) {
    %c0_i32 = arith.constant 0 : i32
    %c0_i32_0 = arith.constant 0 : i32
    return %arg0, %c0_i32 : i32, i32
  }
  func.func @transform_1(%arg0: i32) -> (i32, i32) {
    %c0_i32 = arith.constant 0 : i32
    %c0_i32_0 = arith.constant 0 : i32
    %c0_i32_1 = arith.constant 0 : i32
    return %c0_i32, %c0_i32_0 : i32, i32
  }
  func.func @transform_2(%arg0: i32) -> (i32, i32) {
    %c0_i32 = arith.constant 0 : i32
    %c0_i32_0 = arith.constant 0 : i32
    return %arg0, %c0_i32 : i32, i32
  }
  func.func @transform_3(%arg0: i32) -> (i32, i32) {
    %c0_i32 = arith.constant 0 : i32
    %c0_i32_0 = arith.constant 0 : i32
    %c0_i32_1 = arith.constant 0 : i32
    return %c0_i32, %c0_i32_0 : i32, i32
  }
  func.func @transform_4(%arg0: i32) -> (i32, i32) {
    %c0_i32 = arith.constant 0 : i32
    %c0_i32_0 = arith.constant 0 : i32
    return %arg0, %c0_i32 : i32, i32
  }
}

</mosaic_0001>

<sc_bundles>
// kernel: kernel.4.cloned.1.call-start
scs
__scs_entry_jumppad:
0x0: {  	(pc) =	sbr.rel $0x88, $3  }
0x1: {  	(tag) =	ssettag $0x0;
	lr =	simm.s32 $0x1  }
0x2: {  	[smem:$0x3F9F] =	sst lr;
	_ =	strace $0xD0000000  }
0x3: {  	_ = 	snop  }
0x4: {  	_ = 	snop  }
0x5: {  	_ = 	snop  }
0x6: {  	_ = 	snop  }
0x7: {  	_ = 	snop  }
__scs_overlays_trampoline_lowered:
0x8: {  	[smem:$0x3FAE] =	sst s0  }
0x9: {  	[smem:$0x3FAF] =	sst s1  }
0xa: {  	[smem:$0x3FB0] =	sst s2  }
0xb: {  	[smem:$0x3FB1] =	sst s3  }
0xc: {  	[smem:$0x3FB2] =	sst s4  }
0xd: {  	[smem:$0x3FB3] =	sst s5  }
0xe: {  	[smem:$0x3FB4] =	sst s6  }
0xf: {  	[smem:$0x3FB5] =	sst s7  }
0x10: {  	[smem:$0x3FB6] =	sst s8  }
0x11: {  	[smem:$0x3FB7] =	sst s9;
	s0 =	simm.s32 @!p0 $0x0  }
0x12: {  	s1 =	sld [smem:$0x3F9D];
	s0 =	simm.s32 @p0 $0x1  }
0x13: {  	[smem:$0x3FB8] =	sst s0;
	s0 =	simm.s32 @!p1 $0x0  }
0x14: {  	s2 =	sld [smem:$0x3F9C];
	s0 =	simm.s32 @p1 $0x1  }
0x15: {  	[smem:$0x3FB9] =	sst s0;
	s0 =	simm.s32 @!p2 $0x0  }
0x16: {  	s3 =	sld [smem:$0x3FDB];
	s0 =	simm.s32 @p2 $0x1  }
0x17: {  	s4 =	simm.s32 $0x1BF5;
	[smem:$0x3FBB] =	sst s0  }
0x18: {  	s0 =	sld [smem:$0x3F9E];
	_ =	swait.ge [sflag:s4], $0x0  }
0x19: {  	s7 =	sld [smem:$0x3F9F]  }
0x1a: {  	s8 =	sadd.s32 $0xFFFFE003, lr  }
0x1b: {  	s9 =	sadd.s32 $0xFFFFFEF7, lr;
	s5 =	simm.s32 $0xFFFFFFFF;
	p2 =	slt.u32 s8, $0xFFFFF086  }
0x1c: {  	p1 =	slt.u32 s9, $0xF7A;
	s5 =	simm.s32 @!p2 $0x0  }
0x1d: {  	s5 =	simm.s32 @p1 $0x1;
	p0 =	seq.s32 s7, s2  }
0x1e: {  	s7 =	smul.u32 @!p0 $0xF7A, s2;
	p2 =	seq.s32 @!p0 s5, $0x0  }
0x1f: {  	s9 =	smul.u32 $0xF7A, s1;
	s8 =	simm.s32 @!p0 $0x1BF5;
	p2 =	por !p2, p0  }
0x20: {  	[sflag:s8] =	ssyncset.s32 @!p0 $0xFFFFF086;
	s6 =	sadd.s32 @!p0 s3, s7;
	s7 =	simm.s32 @!p0 $0x108  }
0x21: {  	s3 =	sadd.s32 s3, s9;
	s6 =	sadd.s32 @!p0 $0x88, s6;
	s7 =	simm.s32 @p2 $0x1082  }
0x22: {  	[simem:s7], [sflag:s8] =	dma.local @!p0 [hbm:s6], $0xF7A  }
0x23: {  	s9 =	sor.u32 $0xD0000000, s2;
	s6 =	simm.s32 $0x108;
	_ =	swait.ge @!p0 [sflag:s8], $0x0  }
0x24: {  	s3 =	sadd.s32 $0x88, s3;
	s6 =	simm.s32 @!p1 $0x1082;
	[sflag:s4] =	ssyncset.s32 $0xFFFFF086  }
0x25: {  	[simem:s6], [sflag:s4] =	dma.local [hbm:s3], $0xF7A  }
0x26: {  	[smem:$0x3F9F] =	sst s1;
	(tag) =	ssettag s2;
	_ =	strace s9  }
0x27: {  	s1 =	sld [smem:$0x3FAF]  }
0x28: {  	s2 =	sld [smem:$0x3FB0]  }
0x29: {  	s4 =	sld [smem:$0x3FB2]  }
0x2a: {  	p0 =	seq.s32 s5, $0x0;
	s5 =	sld [smem:$0x3FB3]  }
0x2b: {  	s6 =	sld [smem:$0x3FB4]  }
0x2c: {  	s7 =	sld [smem:$0x3FB5]  }
0x2d: {  	s3 =	simm.s32 $0x108;
	s8 =	sld [smem:$0x3FB6]  }
0x2e: {  	s3 =	simm.s32 @!p0 $0x1082;
	s9 =	sld [smem:$0x3FB7]  }
0x2f: {  	lr =	sadd.s32 s0, s3;
	s0 =	sld [smem:$0x3FAE]  }
0x30: {  	s3 =	sld [smem:$0x3FB1]  }
0x31: {  	[smem:$0x3FBA] =	sst s10  }
0x32: {  	s10 =	sld [smem:$0x3FB8];
	_ =	sdelay $0x3  }
0x33: {  	p0 =	seq.s32 s10, $0x1;
	s10 =	sld [smem:$0x3FBA];
	_ =	sdelay $0x3  }
0x34: {  	[smem:$0x3FBA] =	sst s10  }
0x35: {  	s10 =	sld [smem:$0x3FB9];
	_ =	sdelay $0x3  }
0x36: {  	p1 =	seq.s32 s10, $0x1;
	s10 =	sld [smem:$0x3FBA];
	_ =	sdelay $0x3  }
0x37: {  	[smem:$0x3FBA] =	sst s10  }
0x38: {  	s10 =	sld [smem:$0x3FBB]  }
0x39: {  	_ = 	snop;
	(pc) =	sbr.ind lr, $3  }
0x3a: {  	_ = 	snop  }
0x3b: {  	_ = 	snop  }
0x3c: {  	p2 =	seq.s32 s10, $0x1;
	s10 =	sld [smem:$0x3FBA]  }
0x3d: {  	_ =	shalt  }
0x3e: {  	_ =	shalt  }
0x3f: {  	_ =	shalt  }
0x40: {  	_ =	shalt  }
0x41: {  	_ =	shalt  }
0x42: {  	_ =	shalt  }
0x43: {  	_ =	shalt  }
0x44: {  	_ =	shalt  }
0x45: {  	_ =	shalt  }
0x46: {  	_ =	shalt  }
0x47: {  	_ =	shalt  }
0x48: {  	_ =	shalt  }
0x49: {  	_ =	shalt  }
0x4a: {  	_ =	shalt  }
0x4b: {  	_ =	shalt  }
0x4c: {  	_ =	shalt  }
0x4d: {  	_ =	shalt  }
0x4e: {  	_ =	shalt  }
0x4f: {  	_ =	shalt  }
0x50: {  	_ =	shalt  }
0x51: {  	_ =	shalt  }
0x52: {  	_ =	shalt  }
0x53: {  	_ =	shalt  }
0x54: {  	_ =	shalt  }
0x55: {  	_ =	shalt  }
0x56: {  	_ =	shalt  }
0x57: {  	_ =	shalt  }
0x58: {  	_ =	shalt  }
0x59: {  	_ =	shalt  }
0x5a: {  	_ =	shalt  }
0x5b: {  	_ =	shalt  }
0x5c: {  	_ =	shalt  }
0x5d: {  	_ =	shalt  }
0x5e: {  	_ =	shalt  }
0x5f: {  	_ =	shalt  }
0x60: {  	_ =	shalt  }
0x61: {  	_ =	shalt  }
0x62: {  	_ =	shalt  }
0x63: {  	_ =	shalt  }
0x64: {  	_ =	shalt  }
0x65: {  	_ =	shalt  }
0x66: {  	_ =	shalt  }
0x67: {  	_ =	shalt  }
0x68: {  	_ =	shalt  }
0x69: {  	_ =	shalt  }
0x6a: {  	_ =	shalt  }
0x6b: {  	_ =	shalt  }
0x6c: {  	_ =	shalt  }
0x6d: {  	_ =	shalt  }
0x6e: {  	_ =	shalt  }
0x6f: {  	_ =	shalt  }
0x70: {  	_ =	shalt  }
0x71: {  	_ =	shalt  }
0x72: {  	_ =	shalt  }
0x73: {  	_ =	shalt  }
0x74: {  	_ =	shalt  }
0x75: {  	_ =	shalt  }
0x76: {  	_ =	shalt  }
0x77: {  	_ =	shalt  }
0x78: {  	_ =	shalt  }
0x79: {  	_ =	shalt  }
0x7a: {  	_ =	shalt  }
0x7b: {  	_ =	shalt  }
0x7c: {  	_ =	shalt  }
0x7d: {  	_ =	shalt  }
0x7e: {  	_ =	shalt  }
0x7f: {  	_ =	shalt  }
0x80: {  	_ =	shalt  }
0x81: {  	_ =	shalt  }
0x82: {  	_ =	shalt  }
0x83: {  	_ =	shalt  }
0x84: {  	_ =	shalt  }
0x85: {  	_ =	shalt  }
0x86: {  	_ =	shalt  }
0x87: {  	_ =	shalt  }
.Lfunc_end0:
.L_simem_size_0:
called_computation_lowered:
.L_overlay_start_0:
0x88: {  	s2 =	sld [smem:$0x3FD9]  }
0x89: {  	s3 =	sld [smem:$0x3FFE];
	_ =	sdelay $0x1  }
0x8a: {  	s1 =	srdreg.scid  }
0x8b: {  	s0 =	sand.u32 $0x1, s1  }
0x8c: {  	s14 =	sshll.u32 s0, $0xA;
	s2 =	sadd.s32 s3, s2  }
0x8d: {  	s2 =	sadd.s32 s2, s14  }
0x8e: {  	[smem:$0x3FC6] =	sst s2  }
0x8f: {  	_ = 	snop  }
0x90: {  	s2 =	sld [smem:$0x3FD0];
	_ =	sdelay $0x2  }
0x91: {  	s15 =	simm.s32 $0xA;
	s4 =	simm.s32 $0x10  }
0x92: {  	[smem:s4], [sflag:s15] =	dma.local [hbm:s2], $0x1  }
0x93: {  	_ =	swait.eq [sflag:s15], $0x1  }
0x94: {  	[sflag:s15] =	ssyncset.done $0x0  }
0x95: {  	[sflag:s15] =	ssyncadd.s32 $0xFFFFFFFF  }
0x96: {  	s16 =	sld [smem:$0x11];
	(tm) =	ssettm $0x1  }
0x97: {  	s17 =	sld [smem:$0x3FFB];
	_ =	sdelay $0x3  }
0x98: {  	_ =	strace s17  }
0x99: {  	s3 =	sld [smem:$0x3FFC];
	_ =	sdelay $0x3  }
0x9a: {  	_ =	strace s3  }
0x9b: {  	s3 =	sld [smem:$0x3FFD];
	_ =	sdelay $0x3  }
0x9c: {  	_ =	strace s3  }
0x9d: {  	_ =	strace $0x8FFFFFFF  }
0x9e: {  	s18 =	sld [smem:$0x3FDB];
	_ =	sdelay $0x1  }
0x9f: {  	s19 =	simm.s32 $_scs_section_size  }
0xa0: {  	s5 =	simm.s32 $_size__tile_overlayer_lowered;
	s6 =	simm.s32 $_tile_overlayer_lowered  }
0xa1: {  	s22 =	simm.s32 $0x1BFF;
	s21 =	sshll.u32 s6, $0x1;
	s3 =	sadd.s32 s19, s18  }
0xa2: {  	s7 =	simm.s32 $0x0;
	s20 =	sshll.u32 s5, $0x1;
	s5 =	sadd.s32 s21, s3  }
0xa3: {  	[timem:s7], [sflag:s22] =	dma.local [hbm:s5], s20  }
0xa4: {  	_ =	swait.ge [sflag:s22], s20  }
0xa5: {  	s4 =	ssub.s32 $0x0, s20;
	[sflag:s22] =	ssyncset.done $0x0  }
0xa6: {  	[sflag:s22] =	ssyncadd.s32 s4;
	_ =	sdelay $0x1  }
0xa7: {  	s23 =	simm.s32 $0x1B8B  }
0xa8: {  	_ =	swait.ge [sflag:s23], $0x1  }
0xa9: {  	[sflag:s23] =	ssyncset.done $0x0  }
0xaa: {  	s25 =	simm.s32 $0x1B8E;
	s24 =	sld [smem:$0x3FFE];
	[sflag:s23] =	ssyncadd.s32 $0xFFFFFFFF  }
0xab: {  	s26 =	simm.s32 $execute0_lowered;
	[smem:$0x3FD2] =	sst s25  }
0xac: {  	s5 =	sshll.u32 s26, $0x1;
	_ =	strace $0x80000046;
	[dreg:$0x1] =	wrdreg $0xFFFFFFFF  }
0xad: {  	s28 =	simm.s32 $_size_execute0_lowered;
	s3 =	sadd.s32 s3, s5;
	[dreg:$0x0] =	wrdreg $0x0  }
0xae: {  	s5 =	sshll.u32 s28, $0x1;
	[dreg:$0x2] =	wrdreg s3  }
0xaf: {  	[dreg:$0x3] =	wrdreg s5  }
0xb0: {  	[dreg:$0x4] =	wrdreg $0xC0  }
0xb1: {  	_ =	task [dreg:s7], $0x5FFFF  }
0xb2: {  	[dreg:$0x1] =	wrdreg $0xFFFFFFFF  }
0xb3: {  	[dreg:$0x0] =	wrdreg $0x60  }
0xb4: {  	[dreg:$0x2] =	wrdreg s24  }
0xb5: {  	[dreg:$0x3] =	wrdreg s16  }
0xb6: {  	[dreg:$0x4] =	wrdreg $0x9  }
0xb7: {  	_ =	task.clear_ibuf [dreg:s7], $0x5FFFF;
	_ =	strace $0x90000046  }
0xb8: {  	s29 =	simm.s32 $0x9;
	_ =	strace $0x80000048  }
0xb9: {  	_ =	swait.ge [sflag:s29], $0x1  }
0xba: {  	[sflag:s29] =	ssyncadd.s32 $0xFFFFFFFF  }
0xbb: {  	_ =	strace $0x90000048  }
0xbc: {  	_ =	sfence  }
0xbd: {  	s30 =	sld [smem:$0x0];
	_ =	sdelay $0x2  }
0xbe: {  	s31 =	sshll.u32 s1, $0xD;
	s1 =	sshrl.u32 s1, $0x2  }
0xbf: {  	s3 =	sand.u32 $0x4000, s31;
	s1 =	sadd.s32 s1, s30  }
0xc0: {  	s0 =	sor.u32 s3, s0;
	s1 =	sshll.u32 s1, $0x11  }
0xc1: {  	s0 =	sor.u32 s1, s0  }
0xc2: {  	s0 =	sadd.s32 $0x8F2B, s0  }
0xc3: {  	[sflag:s0] =	ssyncadd.remote.s32 $0x1  }
0xc4: {  	_ =	sfence.sel $0xFFFF  }
0xc5: {  	[dreg:$0x0] =	wrdreg $0xFFFFFFFF;
	(pc) =	sbr.abs _section_cstart, $3  }
0xc6: {  	[dreg:$0x1] =	wrdreg $0xFFFFFFFF  }
0xc7: {  	_ =	task.clear_ibuf [dreg:s7], $0x2FFFF;
	_ =	strace $0x9FFFFFFF  }
0xc8: {  	(tm) =	ssettm $0x7FFFFFFF  }
0xc9: {  	_ =	shalt  }
tec
execute0_lowered:
.L_overlay_start_1:
0x0: {  	(tag) =	ssettag $0x1  }
0x1: {  	s4 =	rddreg [dreg:$0x0]  }
0x2: {  	s5 =	rddreg [dreg:$0x1]  }
0x3: {  	s0 =	rddreg [dreg:$0x2];
	s3 =	srdreg.scid  }
0x4: {  	s1 =	stileid.u32;
	s2 =	simm.s32 $0x0;
	s11 =	simm.s32 $0x1  }
0x5: {  	s12 =	simm.s32 $0x8100;
	s13 =	simm.s32 $0x10100;
	s14 =	simm.s32 $0x18100  }
0x6: {  	s15 =	simm.s32 $0x0;
	s6 =	sand.u32 $0x1, s3;
	s30 =	sshll.u32 s1, $0x1  }
0x7: {  	[smem:$0x7FF] =	sst s2;
	s3 =	sadd.s32 $0x20000, s4;
	s7 =	sor.u32 s6, s30  }
0x8: {  	_ =	strace $0x80000047;
	s6 =	ssub.s32 $0x2, s6;
	s8 =	sshll.u32 s7, $0x4  }
0x9: {  	s9 =	sshll.u32 s7, $0xC;
	s10 =	sshrl.u32 s6, $0x1;
	s7 =	sshll.u32 s7, $0x5  }
0xa: {  	s8 =	sadd.s32 s8, s4;
	s4 =	sadd.s32 s4, s9;
	s31 =	ssub.s32 s6, s10  }
0xb: {  	s5 =	sadd.s32 s5, s7;
	s9 =	simm.s32 $0x2;
	s10 =	simm.s32 $0x100  }
0xc: {  	s6 =	sadd.s32 $0x40000, s4;
	s7 =	sadd.s32 $0x60000, s8;
	s8 =	smax.u32 s31, $0x1  }
.LBB2_1:
0xd: {  	[tilespmem:s2], [sflag:$0x2] =	stream.linear.gather [hbm4b:s5+s2], $0x100, $0x38;
	[tilespmem:$0x18180] =	vst v63  }
0xe: {  	_ =	swait.ge [sflag:s9], $0x100  }
0xf: {  	[sflag:s9] =	ssyncset.done $0x0  }
0x10: {  	[sflag:s9] =	ssyncadd.s32 $0xFFFFFF00  }
0x11: {  	[tilespmem:s10], [sflag:$0x1] =	stream.indirect.gather [hbm4b:s3+s10], $0x80, s2, s10, $0xb8;
	[tilespmem:$0x18180] =	vst v63  }
0x12: {  	_ =	swait.ge [sflag:s11], $0x8000  }
0x13: {  	[sflag:s11] =	ssyncset.done $0x0  }
0x14: {  	[sflag:s11] =	ssyncadd.s32 $0xFFFF8000  }
0x15: {  	[tilespmem:s12], [sflag:$0x2] =	stream.linear.gather [hbm4b:s4+s2], $0x8000, $0x38;
	[tilespmem:$0x18180] =	vst v63  }
0x16: {  	_ =	swait.ge [sflag:s9], $0x8000  }
0x17: {  	[sflag:s9] =	ssyncset.done $0x0  }
0x18: {  	s17 =	simm.s32 $0x0;
	[sflag:s9] =	ssyncadd.s32 $0xFFFF8000  }
0x19: {  	v0 =	vld [tilespmem:s17+$0x100]  }
0x1a: {  	v1 =	vld [tilespmem:s17+$0x8100]  }
0x1b: {  	v2 =	vld [tilespmem:s17+$0x110]  }
0x1c: {  	v4 =	vld [tilespmem:s17+$0x8110]  }
0x1d: {  	v5 =	vld [tilespmem:s17+$0x120]  }
0x1e: {  	v6 =	vld [tilespmem:s17+$0x8120]  }
0x1f: {  	v7 =	vld [tilespmem:s17+$0x130];
	v0 =	vsub.f32 v0, v1  }
0x20: {  	s16 =	simm.s32 $0x80;
	v8 =	vld [tilespmem:s17+$0x8130]  }
0x21: {  	v9 =	vld [tilespmem:s16+$0x100];
	v12 =	vsub.f32 v2, v4;
	v10 =	vmul.f32 v0, v0  }
0x22: {  	v3 =	vld [tilespmem:s16+$0x8100];
	v0 =	vadd.f32 v0, v1;
	v1 =	vimm.f32 $0.0e+00  }
0x23: {  	v11 =	vld [tilespmem:s16+$0x110];
	v5 =	vsub.f32 v5, v6;
	v1 =	vadd.f32 v10, v1;
	v10 =	vmul.f32 v12, v12  }
0x24: {  	v2 =	vld [tilespmem:s16+$0x8110];
	[tilespmem:s17+$0x10100] =	vst v0;
	v12 =	vadd.f32 v12, v4  }
0x25: {  	v13 =	vsub.f32 v7, v8;
	v4 =	vld [tilespmem:s16+$0x120];
	v1 =	vadd.f32 v10, v1;
	v10 =	vmul.f32 v5, v5  }
0x26: {  	v6 =	vadd.f32 v5, v6;
	v0 =	vld [tilespmem:s16+$0x8120];
	[tilespmem:s17+$0x10110] =	vst v12  }
0x27: {  	v7 =	vsub.f32 v9, v3;
	v14 =	vmul.f32 v13, v13;
	v5 =	vld [tilespmem:s16+$0x130];
	v63 =	vadd.f32 v10, v1  }
0x28: {  	s18 =	simm.s32 $0x100;
	v1 =	vld [tilespmem:s16+$0x8130];
	[tilespmem:s17+$0x10120] =	vst v6;
	v10 =	vadd.f32 v13, v8  }
0x29: {  	s19 =	simm.s32 $0x600;
	v9 =	vmul.f32 v7, v7;
	v8 =	vsub.f32 v11, v2;
	v6 =	vld [tilespmem:s18+$0x100];
	v11 =	vadd.f32 v14, v63  }
.LBB2_2:
0x2a: {  	p0 =	sne.s32 s19, $0x1FE00;
	v7 =	vadd.f32 v7, v3;
	v3 =	vld [tilespmem:s18+$0x8100];
	[tilespmem:s17+$0x10130] =	vst v10;
	s17 =	smov.u32 s16;
	s16 =	smov.u32 s18  }
0x2b: {  	v12 =	vld [tilespmem:s16+$0x110];
	v9 =	vadd.f32 v9, v11;
	v10 =	vmul.f32 v8, v8;
	v11 =	vsub.f32 v4, v0  }
0x2c: {  	[tilespmem:s17+$0x10100] =	vst v7;
	v7 =	vadd.f32 v8, v2;
	v2 =	vld [tilespmem:s16+$0x8110]  }
.Ltmp0:
0x2d: {  	v4 =	vld [tilespmem:s16+$0x120];
	v8 =	vadd.f32 v10, v9;
	v9 =	vmul.f32 v11, v11;
	v10 =	vsub.f32 v5, v1;
	(pc) =	sbr.rel @p0 .LBB2_2-.Ltmp0, $4  }
0x2e: {  	v11 =	vadd.f32 v11, v0;
	[tilespmem:s17+$0x10110] =	vst v7;
	v0 =	vld [tilespmem:s16+$0x8120]  }
0x2f: {  	v7 =	vsub.f32 v6, v3;
	v5 =	vld [tilespmem:s16+$0x130];
	v13 =	vadd.f32 v9, v8;
	v14 =	vmul.f32 v10, v10  }
0x30: {  	s18 =	sshra.s32 s19, $0x2;
	v10 =	vadd.f32 v10, v1;
	[tilespmem:s17+$0x10120] =	vst v11;
	v1 =	vld [tilespmem:s16+$0x8130]  }
0x31: {  	s19 =	sadd.s32 $0x200, s19;
	v6 =	vld [tilespmem:s18+$0x100];
	v9 =	vmul.f32 v7, v7;
	v8 =	vsub.f32 v12, v2;
	v11 =	vadd.f32 v14, v13  }
0x32: {  	v12 =	vld [tilespmem:s18+$0x8100];
	[tilespmem:s17+$0x10130] =	vst v10;
	v3 =	vadd.f32 v7, v3  }
0x33: {  	v46 =	vld [tilespmem:s18+$0x110];
	v9 =	vadd.f32 v9, v11;
	v47 =	vmul.f32 v8, v8;
	v4 =	vsub.f32 v4, v0  }
0x34: {  	v10 =	vld [tilespmem:s18+$0x8110];
	v2 =	vadd.f32 v8, v2;
	[tilespmem:s16+$0x10100] =	vst v3  }
0x35: {  	v3 =	vld [tilespmem:s18+$0x120];
	v48 =	vadd.f32 v47, v9;
	v49 =	vmul.f32 v4, v4;
	v5 =	vsub.f32 v5, v1  }
0x36: {  	v50 =	vld [tilespmem:s18+$0x8120];
	[tilespmem:s16+$0x10110] =	vst v2  }
0x37: {  	v52 =	vld [tilespmem:s18+$0x130];
	v51 =	vsub.f32 v6, v12;
	v8 =	vadd.f32 v49, v48;
	v53 =	vmul.f32 v5, v5  }
0x38: {  	v13 =	vld [tilespmem:s18+$0x8130]  }
0x39: {  	v7 =	vsub.f32 v46, v10;
	v8 =	vadd.f32 v53, v8;
	v54 =	vmul.f32 v51, v51  }
0x3a: {  	v0 =	vadd.f32 v4, v0  }
0x3b: {  	v56 =	vmul.f32 v7, v7;
	v3 =	vsub.f32 v3, v50;
	v55 =	vadd.f32 v54, v8  }
0x3c: {  	v1 =	vadd.f32 v5, v1;
	v2 =	vadd.f32 v51, v12  }
0x3d: {  	[tilespmem:s16+$0x10120] =	vst v0;
	v59 =	vsub.f32 v52, v13;
	v58 =	vmul.f32 v3, v3;
	v57 =	vadd.f32 v56, v55  }
0x3e: {  	[tilespmem:s16+$0x10130] =	vst v1;
	v60 =	vadd.f32 v7, v10  }
0x3f: {  	[tilespmem:s18+$0x10100] =	vst v2;
	v61 =	vadd.f32 v3, v50;
	v62 =	vmul.f32 v59, v59;
	v0 =	vadd.f32 v58, v57  }
0x40: {  	[tilespmem:s18+$0x10110] =	vst v60;
	v63 =	vadd.f32 v59, v13  }
0x41: {  	[tilespmem:s18+$0x10120] =	vst v61;
	v0 =	vadd.f32 v62, v0  }
0x42: {  	[tilespmem:s18+$0x10130] =	vst v63  }
0x43: {  	[tilespmem:$0x18100] =	vst v0  }
0x44: {  	[hbm4b:s6+s2] =	stream.linear.scatter [tilespmem:s13], [sflag:$0x2], $0x8000, $0x38;
	[tilespmem:$0x18180] =	vst v63  }
0x45: {  	s15 =	sadd.s32 $0x1, s15;
	_ =	swait.ge [sflag:s9], $0x8000  }
0x46: {  	p0 =	sne.s32 s15, s8;
	[sflag:s9] =	ssyncset.done $0x0  }
.Ltmp1:
0x47: {  	[sflag:s9] =	ssyncadd.s32 $0xFFFF8000;
	(pc) =	sbr.rel @p0 .LBB2_1-.Ltmp1, $4  }
0x48: {  	[hbm4b:s7+s2] =	stream.linear.scatter [tilespmem:s14], [sflag:$0x2], $0x80, $0x38;
	[tilespmem:$0x18180] =	vst v63  }
0x49: {  	_ =	swait.ge [sflag:s9], $0x80  }
0x4a: {  	[sflag:s9] =	ssyncset.done $0x0  }
0x4b: {  	[sflag:s9] =	ssyncadd.s32 $0xFFFFFF80  }
0x4c: {  	_ =	sfence.sel $0x180000  }
0x4d: {  	[bflag:$0x0] =	sbarrier.arrive $0xFFFF  }
0x4e: {  	p0 =	sne.s32 s1, $0x0;
	_ =	strace $0x90000047  }
0x4f: {  	s0 =	sadd.s32 @!p0 $0x100000, s0;
	[bflag:$0x2] =	sbarrier.arrive $0xFFFF  }
0x50: {  	[sflag:s0] =	ssyncadd.tile.s32 @!p0 $0x1;
	_ =	shalt  }
.Lfunc_end2:
_tile_overlayer_lowered:
.L_overlay_start_2:
0x51: {  	(tag) =	ssettag $0x2  }
0x52: {  	s0 =	rddreg [dreg:$0x0];
	s2 =	stileid.u32  }
0x53: {  	s1 =	rddreg [dreg:$0x1];
	p0 =	sne.s32 s2, $0x0  }
0x54: {  	s3 =	rddreg [dreg:$0x2];
	[bflag:$0x3] =	sbarrier.arrive $0xFFFF;
	s2 =	simm.s32 @!p0 $0x1C02  }
0x55: {  	[timem:s3], [sflag:s2] =	dma.local @!p0 [hbm:s0], s1  }
0x56: {  	s0 =	simm.s32 @!p0 $0x2  }
0x57: {  	_ =	swait.ge @!p0 [sflag:s0], s1  }
0x58: {  	s1 =	ssub.s32 @!p0 $0x0, s1;
	[sflag:s0] =	ssyncset.done @!p0 $0x0  }
0x59: {  	[sflag:s0] =	ssyncadd.s32 @!p0 s1  }
0x5a: {  	[bflag:$0x3] =	sbarrier.arrive $0xFFFF  }
0x5b: {  	_ =	shalt  }

</sc_bundles>
